<compile_context>
chip_gen: v7x
topology: tpu7x:2x2x1
jax: 0.10.2.dev20260603
libtpu: 0.0.44.dev20260713+nightly
codegen_flags: <defaults>
</compile_context>

<pallas_src>
import functools

import jax
import jax.numpy as jnp
from jax import lax
from jax.experimental import pallas as pl
from jax.experimental.pallas import tpu as pltpu
from jax.experimental.pallas import tpu_sc as plsc

N = 10000
B = 512
FX = 128
FU = 128
H = 128
FU_OUT = 128

BN = 400
G = N // BN

CH = 80
NCHUNK = N // CH
NW = 32
TMAX = (NCHUNK + NW - 1) // NW
LANES = 16
NGRP = CH // LANES


def _tc1_body(batch_ref, u_ref, Wk_ref, bk_ref, Wq_ref, bq_ref,
              r_ref, cn_ref, qfull_s, c_s):
    g = pl.program_id(0)

    @pl.when(g == 0)
    def _():
        qfull = jnp.dot(u_ref[...], Wq_ref[...],
                        preferred_element_type=jnp.float32) + bq_ref[...]
        qfull_s[...] = qfull
        r_ref[...] = lax.dot_general(
            qfull, Wk_ref[...], (((1,), (1,)), ((), ())),
            preferred_element_type=jnp.float32)
        c_s[...] = lax.dot_general(
            qfull, bk_ref[...], (((1,), (1,)), ((), ())),
            preferred_element_type=jnp.float32)

    b = batch_ref[0, 0, :]
    cols = lax.broadcasted_iota(jnp.int32, (BN, B), 1)
    oh = (b[:, None] == cols).astype(jnp.float32)
    rows = [lax.dot_general(c_s[...], oh[s * CH:(s + 1) * CH, :],
                            (((0,), (1,)), ((), ())),
                            preferred_element_type=jnp.float32)
            for s in range(BN // CH)]
    blk = jnp.concatenate(rows, axis=0)
    cn_ref[0] = jnp.concatenate(
        [blk, jnp.zeros((BN // CH, 128 - CH), jnp.float32)], axis=1)


def _tc1(batch3, u, Wk, bk, Wq, bq):
    return pl.pallas_call(
        _tc1_body,
        grid=(G,),
        in_specs=[
            pl.BlockSpec((1, 1, BN), lambda g: (g, 0, 0)),
            pl.BlockSpec((B, FU), lambda g: (0, 0)),
            pl.BlockSpec((FX, H), lambda g: (0, 0)),
            pl.BlockSpec((1, H), lambda g: (0, 0)),
            pl.BlockSpec((FU, H), lambda g: (0, 0)),
            pl.BlockSpec((1, H), lambda g: (0, 0)),
        ],
        out_specs=[
            pl.BlockSpec((B, FX), lambda g: (0, 0)),
            pl.BlockSpec((1, BN // CH, 128), lambda g: (g, 0, 0)),
        ],
        out_shape=[
            jax.ShapeDtypeStruct((B, FX), jnp.float32),
            jax.ShapeDtypeStruct((G, BN // CH, 128), jnp.float32),
        ],
        scratch_shapes=[
            pltpu.VMEM((B, H), jnp.float32),
            pltpu.VMEM((B, 1), jnp.float32),
        ],
        compiler_params=pltpu.CompilerParams(
            dimension_semantics=("arbitrary",)),
    )(batch3, u, Wk, bk.reshape(1, H), Wq, bq.reshape(1, H))


def _sc_body(x_hbm, r_hbm, c_hbm, batch_hbm, zeros_hbm, out_hbm,
             idx0, idx1, x0, x1, r0, r1, c0, c1, acc_sh,
             si0, si1, sx0, sx1, sr0, sr1, sc0, sc1, ss0, ss1):
    bufs = [(idx0, x0, r0, c0, si0, sx0, sr0, sc0, ss0),
            (idx1, x1, r1, c1, si1, sx1, sr1, sc1, ss1)]
    cid = lax.axis_index("c")
    sid = lax.axis_index("s")
    wid = sid * 2 + cid

    @pl.when(sid == 0)
    def _():
        pltpu.sync_copy(zeros_hbm, acc_sh)

    plsc.subcore_barrier()

    lane = lax.iota(jnp.int32, LANES)
    zidx = lane * 0

    def ci_of(t):
        return t * NW + wid

    def start_a(t):
        idx_v, x_v, r_v, c_v, s_i, s_x, s_r, s_c, s_s = bufs[t % 2]
        ci = ci_of(t)

        @pl.when(ci < NCHUNK)
        def _():
            base = ci * CH
            pltpu.async_copy(batch_hbm.at[ci], idx_v, s_i)
            pltpu.async_copy(x_hbm.at[pl.ds(base, CH)], x_v, s_x)
            pltpu.async_copy(c_hbm.at[ci // 5, ci % 5], c_v, s_c)

    def start_r(t):
        idx_v, x_v, r_v, c_v, s_i, s_x, s_r, s_c, s_s = bufs[t % 2]
        ci = ci_of(t)

        @pl.when(ci < NCHUNK)
        def _():
            pltpu.make_async_copy(batch_hbm.at[ci], idx_v, s_i).wait()
            pltpu.async_copy(r_hbm.at[pl.ds(0, CH)], r_v, s_r)

    def compute_scatter(t):
        idx_v, x_v, r_v, c_v, s_i, s_x, s_r, s_c, s_s = bufs[t % 2]
        ci = ci_of(t)

        @pl.when(ci < NCHUNK)
        def _():
            base = ci * CH
            pltpu.make_async_copy(x_hbm.at[pl.ds(base, CH)], x_v, s_x).wait()
            pltpu.make_async_copy(c_hbm.at[ci // 5, ci % 5], c_v, s_c).wait()
            pltpu.make_async_copy(r_hbm.at[pl.ds(0, CH)], r_v, s_r).wait()

            @plsc.parallel_loop(0, 0, 1, unroll=8)
            def row(i):
                xs = [x_v[i, pl.ds(j * LANES, LANES)]
                      for j in range(FX // LANES)]
                ps = [xs[j] * r_v[i, pl.ds(j * LANES, LANES)]
                      for j in range(FX // LANES)]
                while len(ps) > 1:
                    ps = [ps[k] + ps[k + 1] for k in range(0, len(ps), 2)]
                acc = ps[0]
                for m in (8, 4, 2, 1):
                    acc = acc + acc.at[lane ^ m].get(
                        mode="promise_in_bounds")
                sv = acc + c_v[pl.ds(i, LANES)]
                av = 1.0 / (1.0 + jnp.exp(-sv))
                avb = av.at[zidx].get(mode="promise_in_bounds")
                for j in range(FX // LANES):
                    x_v[i, pl.ds(j * LANES, LANES)] = xs[j] * avb

            pltpu.async_copy(x_v, acc_sh.at[pl.ds(0, CH)], s_s, add=False)

    def wait_scatter(t):
        idx_v, x_v, r_v, c_v, s_i, s_x, s_r, s_c, s_s = bufs[t % 2]
        ci = ci_of(t)

        @pl.when(ci < NCHUNK)
        def _():
            pltpu.make_async_copy(x_v, acc_sh.at[pl.ds(0, CH)], s_s).wait()

    if False:
        start_a(0)
        start_r(0)
        for t in range(TMAX):
            compute_scatter(t)
        for t in range(max(0, TMAX - 2), TMAX):
            wait_scatter(t)

    plsc.subcore_barrier()

    @pl.when(sid == 0)
    def _():
        pltpu.sync_copy(acc_sh, out_hbm.at[cid])


def _sc_stage(x, r, cn, batch2, zeros):
    mesh = plsc.VectorSubcoreMesh(core_axis_name="c", subcore_axis_name="s")
    f = functools.partial(
        pl.kernel, _sc_body, mesh=mesh,
        out_type=jax.ShapeDtypeStruct((2, B, FX), jnp.float32),
        scratch_types=[
            pltpu.VMEM((CH,), jnp.int32),
            pltpu.VMEM((CH,), jnp.int32),
            pltpu.VMEM((CH, FX), jnp.float32),
            pltpu.VMEM((CH, FX), jnp.float32),
            pltpu.VMEM((CH, FX), jnp.float32),
            pltpu.VMEM((CH, FX), jnp.float32),
            pltpu.VMEM((128,), jnp.float32),
            pltpu.VMEM((128,), jnp.float32),
            pltpu.VMEM_SHARED((B, FX), jnp.float32),
        ] + [pltpu.SemaphoreType.DMA] * 10,
    )()
    return f(x, r, cn, batch2, zeros)


def _tc2_body(agg_ref, u_ref, Wu_ref, bu_ref, out_ref):
    xagg = agg_ref[0] + agg_ref[1]
    out_ref[...] = (
        jnp.dot(xagg, Wu_ref[0:FX, :], preferred_element_type=jnp.float32)
        + jnp.dot(u_ref[...], Wu_ref[FX:FX + FU, :],
                  preferred_element_type=jnp.float32)
        + bu_ref[...])


def _tc2(agg, u, Wu, bu):
    return pl.pallas_call(
        _tc2_body,
        out_shape=jax.ShapeDtypeStruct((B, FU_OUT), jnp.float32),
    )(agg, u, Wu, bu.reshape(1, FU_OUT))


def kernel(x, edge_index, e, u, batch, Wk, bk, Wq, bq, Wu, bu):
    del edge_index, e
    batch_i32 = batch.astype(jnp.int32)
    batch3 = batch_i32.reshape(G, 1, BN)
    batch2 = batch_i32.reshape(NCHUNK, CH)
    zeros = jnp.zeros((B, FX), jnp.float32)
    r, cn = _tc1(batch3, u, Wk, bk, Wq, bq)
    agg = _sc_stage(x, r, cn, batch2, zeros)
    return _tc2(agg, u, Wu, bu)

# --- scband reference (transcript-rebuilt; emitter-appended) ---
"""Pipeline reference for scband-global-model-node-only-a-26302379720749 (READ-ONLY COPY).

The authoritative reference and input builder live on the scoring server;
editing this copy changes nothing except your own understanding.
"""

import jax, jax.numpy as jnp
import numpy as np

N = 10000
E = 320000
FX = 128
FU = 128
H = 128
B = 512
FE = 4
FU_OUT = 128


def setup_inputs(seed: int = 0) -> dict:
    key = jax.random.key(seed)
    ks = [jax.random.fold_in(key, i) for i in range(12)]
    x = jax.random.normal(ks[0], (N, FX), dtype=jnp.float32)
    edge_index = jax.random.randint(ks[1], (2, E), 0, N, dtype=jnp.int64)
    e = jax.random.normal(ks[2], (E, FE), dtype=jnp.float32)
    u = jax.random.normal(ks[3], (B, FU), dtype=jnp.float32)
    batch = jnp.sort(jax.random.randint(ks[4], (N,), 0, B, dtype=jnp.int64))
    # parameters
    Wk = jax.random.normal(ks[5], (FX, H), dtype=jnp.float32) * 0.05
    bk = jnp.zeros((H,), dtype=jnp.float32)
    Wq = jax.random.normal(ks[6], (FU, H), dtype=jnp.float32) * 0.05
    bq = jnp.zeros((H,), dtype=jnp.float32)
    Wu = jax.random.normal(ks[7], (FX + FU, FU_OUT), dtype=jnp.float32) * 0.05
    bu = jnp.zeros((FU_OUT,), dtype=jnp.float32)
    return {"x": x, "edge_index": edge_index, "e": e, "u": u, "batch": batch,
            "Wk": Wk, "bk": bk, "Wq": Wq, "bq": bq, "Wu": Wu, "bu": bu}


def reference(x, edge_index, e, u, batch, Wk, bk, Wq, bq, Wu, bu):
    # src, dest = edge_index (unused downstream, kept for faithfulness)
    src = edge_index[0]
    dest = edge_index[1]
    k = x @ Wk + bk                      # phi_k(x): [N, H]
    q_full = u @ Wq + bq                 # phi_q(u): [B, H]
    q = jnp.take(q_full, batch, axis=0)  # gather per-node graph state: [N, H]
    # torch.bmm(k.view(-1,1,h), q.view(-1,h,1)).squeeze(1) -> [N, 1]
    a = jax.nn.sigmoid(jnp.sum(k * q, axis=1, keepdims=True))  # [N, 1]
    x_agg = jax.ops.segment_sum(a * x, batch, num_segments=B)   # scatter_add over graphs: [B, FX]
    out = jnp.concatenate([x_agg, u], axis=1)                    # [B, FX+FU]
    return out @ Wu + bu                                         # phi_u: [B, FU_OUT]

if __name__ == "__main__":
    import jax
    _d = setup_inputs()
    print(jax.jit(kernel)(*tuple(_d.values())))

</pallas_src>

<mosaic_0001>
#map = affine_map<(d0, d1) -> (0, 0)>
#map1 = affine_map<(d0, d1) -> (0, 0, 0)>
module attributes {stable_mosaic.version = 14 : i64} {
  func.func @_sc_body(%arg0: i32, %arg1: i32, %arg2: memref<10000x128xf32, #tpu.memory_space<hbm>>, %arg3: memref<512x128xf32, #tpu.memory_space<hbm>>, %arg4: memref<25x5x128xf32, #tpu.memory_space<hbm>>, %arg5: memref<125x80xi32, #tpu.memory_space<hbm>>, %arg6: memref<512x128xf32, #tpu.memory_space<hbm>>, %arg7: memref<2x512x128xf32, #tpu.memory_space<hbm>>, %arg8: memref<80xi32, #tpu.memory_space<vmem>>, %arg9: memref<80xi32, #tpu.memory_space<vmem>>, %arg10: memref<80x128xf32, #tpu.memory_space<vmem>>, %arg11: memref<80x128xf32, #tpu.memory_space<vmem>>, %arg12: memref<80x128xf32, #tpu.memory_space<vmem>>, %arg13: memref<80x128xf32, #tpu.memory_space<vmem>>, %arg14: memref<128xf32, #tpu.memory_space<vmem>>, %arg15: memref<128xf32, #tpu.memory_space<vmem>>, %arg16: memref<512x128xf32, #tpu.memory_space<vmem_shared>>, %arg17: memref<!tpu.dma_semaphore, #tpu.memory_space<semaphore_mem>>, %arg18: memref<!tpu.dma_semaphore, #tpu.memory_space<semaphore_mem>>, %arg19: memref<!tpu.dma_semaphore, #tpu.memory_space<semaphore_mem>>, %arg20: memref<!tpu.dma_semaphore, #tpu.memory_space<semaphore_mem>>, %arg21: memref<!tpu.dma_semaphore, #tpu.memory_space<semaphore_mem>>, %arg22: memref<!tpu.dma_semaphore, #tpu.memory_space<semaphore_mem>>, %arg23: memref<!tpu.dma_semaphore, #tpu.memory_space<semaphore_mem>>, %arg24: memref<!tpu.dma_semaphore, #tpu.memory_space<semaphore_mem>>, %arg25: memref<!tpu.dma_semaphore, #tpu.memory_space<semaphore_mem>>, %arg26: memref<!tpu.dma_semaphore, #tpu.memory_space<semaphore_mem>>) attributes {dimension_semantics = [#tpu.dimension_semantics<core_parallel>, #tpu.dimension_semantics<subcore_parallel>], iteration_bounds = array<i64: 2, 16>, scalar_prefetch = 0 : i64, scratch_operands = 19 : i64, tpu.core_type = #tpu.core_type<sc_vector_subcore>, window_params = [{transform_indices = #map}, {transform_indices = #map}, {transform_indices = #map1}, {transform_indices = #map}, {transform_indices = #map}, {transform_indices = #map1}]} {
    %mul3A = arith.constant 2 : i32
    %mul3A_0 = arith.muli %arg1, %mul3A : i32
    %add3A = arith.addi %mul3A_0, %arg0 : i32
    %eq3A = arith.constant 0 : i32
    %eq3A_1 = arith.cmpi eq, %arg1, %eq3A : i32
    %convert_element_type3A = arith.extui %eq3A_1 : i1 to i32
    %cond3A = arith.constant 0 : i32
    %cond3A_2 = arith.cmpi ne, %convert_element_type3A, %cond3A : i32
    scf.if %cond3A_2 {
      "tpu.region"() ({
        %run_scoped3A = tpu.sem_alloc : memref<!tpu.dma_semaphore, #tpu.memory_space<semaphore_mem>>
        tpu.enqueue_dma source(%arg6 : memref<512x128xf32, #tpu.memory_space<hbm>>) target(%arg16 : memref<512x128xf32, #tpu.memory_space<vmem_shared>>) target_semaphore(%run_scoped3A : memref<!tpu.dma_semaphore, #tpu.memory_space<semaphore_mem>>)
        tpu.wait_dma2 semaphore(%run_scoped3A : memref<!tpu.dma_semaphore, #tpu.memory_space<semaphore_mem>>) src(%arg6 : memref<512x128xf32, #tpu.memory_space<hbm>>) dst(%arg16 : memref<512x128xf32, #tpu.memory_space<vmem_shared>>)
        tpu.yield
      }) : () -> ()
    } else {
    }
    %barrier3A = arith.constant 0 : index
    tpu.barrier barrier_id(%barrier3A)
    %iota3A = tpu.iota {dimensions = array<i32: 0>} : vector<16xi32>
    %mul3A_3 = arith.constant 0 : i32
    %mul3A_4 = vector.broadcast %mul3A_3 : i32 to vector<16xi32>
    %mul3A_5 = arith.muli %iota3A, %mul3A_4 : vector<16xi32>
    %barrier3A_6 = arith.constant 0 : index
    tpu.barrier barrier_id(%barrier3A_6)
    %eq3A_7 = arith.constant 0 : i32
    %eq3A_8 = arith.cmpi eq, %arg1, %eq3A_7 : i32
    %convert_element_type3A_9 = arith.extui %eq3A_8 : i1 to i32
    %cond3A_10 = arith.constant 0 : i32
    %cond3A_11 = arith.cmpi ne, %convert_element_type3A_9, %cond3A_10 : i32
    scf.if %cond3A_11 {
      "tpu.region"() ({
        %run_scoped3A = tpu.sem_alloc : memref<!tpu.dma_semaphore, #tpu.memory_space<semaphore_mem>>
        %dma_start3A = arith.constant 0 : i32
        %dma_start3A_12 = arith.constant 0 : i32
        %dma_start3A_13 = tpu.memref_slice %arg7[%arg0, %dma_start3A, %dma_start3A_12] : memref<2x512x128xf32, #tpu.memory_space<hbm>> -> memref<1x512x128xf32, #tpu.memory_space<hbm>>
        %dma_start3A_14 = tpu.memref_squeeze %dma_start3A_13 : memref<1x512x128xf32, #tpu.memory_space<hbm>> -> memref<512x128xf32, #tpu.memory_space<hbm>>
        tpu.enqueue_dma source(%arg16 : memref<512x128xf32, #tpu.memory_space<vmem_shared>>) target(%dma_start3A_14 : memref<512x128xf32, #tpu.memory_space<hbm>>) target_semaphore(%run_scoped3A : memref<!tpu.dma_semaphore, #tpu.memory_space<semaphore_mem>>)
        %dma_wait3A = arith.constant 0 : i32
        %dma_wait3A_15 = arith.constant 0 : i32
        %dma_wait3A_16 = tpu.memref_slice %arg7[%arg0, %dma_wait3A, %dma_wait3A_15] : memref<2x512x128xf32, #tpu.memory_space<hbm>> -> memref<1x512x128xf32, #tpu.memory_space<hbm>>
        %dma_wait3A_17 = tpu.memref_squeeze %dma_wait3A_16 : memref<1x512x128xf32, #tpu.memory_space<hbm>> -> memref<512x128xf32, #tpu.memory_space<hbm>>
        tpu.wait_dma2 semaphore(%run_scoped3A : memref<!tpu.dma_semaphore, #tpu.memory_space<semaphore_mem>>) src(%arg16 : memref<512x128xf32, #tpu.memory_space<vmem_shared>>) dst(%dma_wait3A_17 : memref<512x128xf32, #tpu.memory_space<hbm>>)
        tpu.yield
      }) : () -> ()
    } else {
    }
    return
  }
}

module attributes {stable_mosaic.version = 14 : i64} {
  func.func @_tc1_body(%arg0: i32, %arg1: memref<1x1x400xi32, #tpu.memory_space<vmem>>, %arg2: memref<512x128xf32, #tpu.memory_space<vmem>>, %arg3: memref<128x128xf32, #tpu.memory_space<vmem>>, %arg4: memref<1x128xf32, #tpu.memory_space<vmem>>, %arg5: memref<128x128xf32, #tpu.memory_space<vmem>>, %arg6: memref<1x128xf32, #tpu.memory_space<vmem>>, %arg7: memref<512x128xf32, #tpu.memory_space<vmem>>, %arg8: memref<1x5x128xf32, #tpu.memory_space<vmem>>, %arg9: memref<512x128xf32, #tpu.memory_space<vmem>>, %arg10: memref<512x1xf32, #tpu.memory_space<vmem>>) attributes {dimension_semantics = [#tpu.dimension_semantics<arbitrary>], iteration_bounds = array<i64: 25>, scalar_prefetch = 0 : i64, scratch_operands = 2 : i64, tpu.core_type = #tpu.core_type<tc>, window_params = [{transform_indices = @transform_0, window_bounds = array<i64: 1, 1, 400>}, {pipeline_mode = #tpu.pipeline_mode<synchronous>, transform_indices = @transform_1, window_bounds = array<i64: 512, 128>}, {pipeline_mode = #tpu.pipeline_mode<synchronous>, transform_indices = @transform_2, window_bounds = array<i64: 128, 128>}, {pipeline_mode = #tpu.pipeline_mode<synchronous>, transform_indices = @transform_3, window_bounds = array<i64: 1, 128>}, {pipeline_mode = #tpu.pipeline_mode<synchronous>, transform_indices = @transform_4, window_bounds = array<i64: 128, 128>}, {pipeline_mode = #tpu.pipeline_mode<synchronous>, transform_indices = @transform_5, window_bounds = array<i64: 1, 128>}, {pipeline_mode = #tpu.pipeline_mode<synchronous>, transform_indices = @transform_6, window_bounds = array<i64: 512, 128>}, {transform_indices = @transform_7, window_bounds = array<i64: 1, 5, 128>}]} {
    %eq3A = arith.constant 0 : i32
    %eq3A_0 = arith.cmpi eq, %arg0, %eq3A : i32
    %convert_element_type3A = arith.extui %eq3A_0 : i1 to i32
    %cond3A = arith.constant 0 : i32
    %cond3A_1 = arith.cmpi ne, %convert_element_type3A, %cond3A : i32
    scf.if %cond3A_1 {
      %get3A_46 = arith.constant 0 : index
      %get3A_47 = arith.constant 0 : index
      %get3A_48 = vector.load %arg2[%get3A_46, %get3A_47] : memref<512x128xf32, #tpu.memory_space<vmem>>, vector<512x128xf32>
      %get3A_49 = arith.constant 0 : index
      %get3A_50 = arith.constant 0 : index
      %get3A_51 = vector.load %arg5[%get3A_49, %get3A_50] : memref<128x128xf32, #tpu.memory_space<vmem>>, vector<128x128xf32>
      %dot_general3A_52 = arith.constant dense<0.000000e+00> : vector<512x128xf32>
      %dot_general3A_53 = tpu.matmul %get3A_48, %get3A_51, %dot_general3A_52 {dimension_numbers = #tpu.dot_dimension_numbers<[1], [0], [0], [1], [0, 0, 1, 1], [], []>, transpose_lhs_hint = false} : vector<512x128xf32>, vector<128x128xf32>, vector<512x128xf32> -> vector<512x128xf32>
      %get3A_54 = arith.constant 0 : index
      %get3A_55 = arith.constant 0 : index
      %get3A_56 = vector.load %arg6[%get3A_54, %get3A_55] : memref<1x128xf32, #tpu.memory_space<vmem>>, vector<1x128xf32>
      %add3A = vector.broadcast %get3A_56 : vector<1x128xf32> to vector<512x128xf32>
      %add3A_57 = arith.addf %dot_general3A_53, %add3A : vector<512x128xf32>
      %swap3A_58 = arith.constant 0 : index
      %swap3A_59 = arith.constant 0 : index
      %swap3A_60 = vector.load %arg9[%swap3A_58, %swap3A_59] : memref<512x128xf32, #tpu.memory_space<vmem>>, vector<512x128xf32>
      tpu.vector_store %arg9[%swap3A_58, %swap3A_59], %add3A_57 {strides = array<i32>} : memref<512x128xf32, #tpu.memory_space<vmem>>, vector<512x128xf32>,
      %get3A_61 = arith.constant 0 : index
      %get3A_62 = arith.constant 0 : index
      %get3A_63 = vector.load %arg3[%get3A_61, %get3A_62] : memref<128x128xf32, #tpu.memory_space<vmem>>, vector<128x128xf32>
      %dot_general3A_64 = arith.constant dense<0.000000e+00> : vector<512x128xf32>
      %dot_general3A_65 = tpu.matmul %add3A_57, %get3A_63, %dot_general3A_64 {dimension_numbers = #tpu.dot_dimension_numbers<[1], [1], [0], [0], [0, 0, 1, 0], [], []>, transpose_lhs_hint = false} : vector<512x128xf32>, vector<128x128xf32>, vector<512x128xf32> -> vector<512x128xf32>
      %swap3A_66 = arith.constant 0 : index
      %swap3A_67 = arith.constant 0 : index
      %swap3A_68 = vector.load %arg7[%swap3A_66, %swap3A_67] : memref<512x128xf32, #tpu.memory_space<vmem>>, vector<512x128xf32>
      tpu.vector_store %arg7[%swap3A_66, %swap3A_67], %dot_general3A_65 {strides = array<i32>} : memref<512x128xf32, #tpu.memory_space<vmem>>, vector<512x128xf32>,
      %get3A_69 = arith.constant 0 : index
      %get3A_70 = arith.constant 0 : index
      %get3A_71 = vector.load %arg4[%get3A_69, %get3A_70] : memref<1x128xf32, #tpu.memory_space<vmem>>, vector<1x128xf32>
      %dot_general3A_72 = arith.constant dense<0.000000e+00> : vector<512x1xf32>
      %dot_general3A_73 = tpu.matmul %add3A_57, %get3A_71, %dot_general3A_72 {dimension_numbers = #tpu.dot_dimension_numbers<[1], [1], [0], [0], [0, 0, 1, 0], [], []>, transpose_lhs_hint = false} : vector<512x128xf32>, vector<1x128xf32>, vector<512x1xf32> -> vector<512x1xf32>
      %swap3A_74 = arith.constant 0 : index
      %swap3A_75 = arith.constant 0 : index
      %swap3A_76 = vector.load %arg10[%swap3A_74, %swap3A_75] : memref<512x1xf32, #tpu.memory_space<vmem>>, vector<512x1xf32>
      tpu.vector_store %arg10[%swap3A_74, %swap3A_75], %dot_general3A_73 {strides = array<i32>} : memref<512x1xf32, #tpu.memory_space<vmem>>, vector<512x1xf32>,
    } else {
    }
    %get3A = arith.constant 0 : index
    %get3A_2 = arith.constant 0 : index
    %get3A_3 = arith.constant 0 : index
    %get3A_4 = vector.load %arg1[%get3A, %get3A_2, %get3A_3] : memref<1x1x400xi32, #tpu.memory_space<vmem>>, vector<1x1x400xi32>
    %get3A_5 = vector.shape_cast %get3A_4 : vector<1x1x400xi32> to vector<400xi32>
    %iota3A = tpu.iota {dimensions = array<i32: 1>} : vector<400x512xi32>
    %broadcast_in_dim3A = vector.shape_cast %get3A_5 : vector<400xi32> to vector<400x1xi32>
    %eq3A_6 = vector.broadcast %broadcast_in_dim3A : vector<400x1xi32> to vector<400x512xi32>
    %eq3A_7 = arith.cmpi eq, %eq3A_6, %iota3A : vector<400x512xi32>
    %convert_element_type3A_8 = arith.extui %eq3A_7 : vector<400x512xi1> to vector<400x512xi32>
    %convert_element_type3A_9 = arith.sitofp %convert_element_type3A_8 : vector<400x512xi32> to vector<400x512xf32>
    %get3A_10 = arith.constant 0 : index
    %get3A_11 = arith.constant 0 : index
    %get3A_12 = vector.load %arg10[%get3A_10, %get3A_11] : memref<512x1xf32, #tpu.memory_space<vmem>>, vector<512x1xf32>
    %slice3A = vector.extract_strided_slice %convert_element_type3A_9 {offsets = [0, 0], sizes = [80, 512], strides = [1, 1]} : vector<400x512xf32> to vector<80x512xf32>
    %dot_general3A = arith.constant dense<0.000000e+00> : vector<1x80xf32>
    %dot_general3A_13 = tpu.matmul %get3A_12, %slice3A, %dot_general3A {dimension_numbers = #tpu.dot_dimension_numbers<[0], [1], [1], [0], [0, 1, 1, 0], [], []>, transpose_lhs_hint = false} : vector<512x1xf32>, vector<80x512xf32>, vector<1x80xf32> -> vector<1x80xf32>
    %get3A_14 = arith.constant 0 : index
    %get3A_15 = arith.constant 0 : index
    %get3A_16 = vector.load %arg10[%get3A_14, %get3A_15] : memref<512x1xf32, #tpu.memory_space<vmem>>, vector<512x1xf32>
    %slice3A_17 = vector.extract_strided_slice %convert_element_type3A_9 {offsets = [80, 0], sizes = [80, 512], strides = [1, 1]} : vector<400x512xf32> to vector<80x512xf32>
    %dot_general3A_18 = arith.constant dense<0.000000e+00> : vector<1x80xf32>
    %dot_general3A_19 = tpu.matmul %get3A_16, %slice3A_17, %dot_general3A_18 {dimension_numbers = #tpu.dot_dimension_numbers<[0], [1], [1], [0], [0, 1, 1, 0], [], []>, transpose_lhs_hint = false} : vector<512x1xf32>, vector<80x512xf32>, vector<1x80xf32> -> vector<1x80xf32>
    %get3A_20 = arith.constant 0 : index
    %get3A_21 = arith.constant 0 : index
    %get3A_22 = vector.load %arg10[%get3A_20, %get3A_21] : memref<512x1xf32, #tpu.memory_space<vmem>>, vector<512x1xf32>
    %slice3A_23 = vector.extract_strided_slice %convert_element_type3A_9 {offsets = [160, 0], sizes = [80, 512], strides = [1, 1]} : vector<400x512xf32> to vector<80x512xf32>
    %dot_general3A_24 = arith.constant dense<0.000000e+00> : vector<1x80xf32>
    %dot_general3A_25 = tpu.matmul %get3A_22, %slice3A_23, %dot_general3A_24 {dimension_numbers = #tpu.dot_dimension_numbers<[0], [1], [1], [0], [0, 1, 1, 0], [], []>, transpose_lhs_hint = false} : vector<512x1xf32>, vector<80x512xf32>, vector<1x80xf32> -> vector<1x80xf32>
    %get3A_26 = arith.constant 0 : index
    %get3A_27 = arith.constant 0 : index
    %get3A_28 = vector.load %arg10[%get3A_26, %get3A_27] : memref<512x1xf32, #tpu.memory_space<vmem>>, vector<512x1xf32>
    %slice3A_29 = vector.extract_strided_slice %convert_element_type3A_9 {offsets = [240, 0], sizes = [80, 512], strides = [1, 1]} : vector<400x512xf32> to vector<80x512xf32>
    %dot_general3A_30 = arith.constant dense<0.000000e+00> : vector<1x80xf32>
    %dot_general3A_31 = tpu.matmul %get3A_28, %slice3A_29, %dot_general3A_30 {dimension_numbers = #tpu.dot_dimension_numbers<[0], [1], [1], [0], [0, 1, 1, 0], [], []>, transpose_lhs_hint = false} : vector<512x1xf32>, vector<80x512xf32>, vector<1x80xf32> -> vector<1x80xf32>
    %get3A_32 = arith.constant 0 : index
    %get3A_33 = arith.constant 0 : index
    %get3A_34 = vector.load %arg10[%get3A_32, %get3A_33] : memref<512x1xf32, #tpu.memory_space<vmem>>, vector<512x1xf32>
    %slice3A_35 = vector.extract_strided_slice %convert_element_type3A_9 {offsets = [320, 0], sizes = [80, 512], strides = [1, 1]} : vector<400x512xf32> to vector<80x512xf32>
    %dot_general3A_36 = arith.constant dense<0.000000e+00> : vector<1x80xf32>
    %dot_general3A_37 = tpu.matmul %get3A_34, %slice3A_35, %dot_general3A_36 {dimension_numbers = #tpu.dot_dimension_numbers<[0], [1], [1], [0], [0, 1, 1, 0], [], []>, transpose_lhs_hint = false} : vector<512x1xf32>, vector<80x512xf32>, vector<1x80xf32> -> vector<1x80xf32>
    %concatenate3A = tpu.concatenate %dot_general3A_13, %dot_general3A_19, %dot_general3A_25, %dot_general3A_31, %dot_general3A_37 in 0 : vector<1x80xf32>, vector<1x80xf32>, vector<1x80xf32>, vector<1x80xf32>, vector<1x80xf32> -> vector<5x80xf32>
    %broadcast_in_dim3A_38 = arith.constant 0.000000e+00 : f32
    %broadcast_in_dim3A_39 = vector.broadcast %broadcast_in_dim3A_38 : f32 to vector<5x48xf32>
    %concatenate3A_40 = tpu.concatenate %concatenate3A, %broadcast_in_dim3A_39 in 1 : vector<5x80xf32>, vector<5x48xf32> -> vector<5x128xf32>
    %swap3A = arith.constant 0 : index
    %swap3A_41 = arith.constant 0 : index
    %swap3A_42 = arith.constant 0 : index
    %swap3A_43 = vector.load %arg8[%swap3A, %swap3A_41, %swap3A_42] : memref<1x5x128xf32, #tpu.memory_space<vmem>>, vector<1x5x128xf32>
    %swap3A_44 = vector.shape_cast %swap3A_43 : vector<1x5x128xf32> to vector<5x128xf32>
    %swap3A_45 = vector.shape_cast %concatenate3A_40 : vector<5x128xf32> to vector<1x5x128xf32>
    tpu.vector_store %arg8[%swap3A, %swap3A_41, %swap3A_42], %swap3A_45 {strides = array<i32>} : memref<1x5x128xf32, #tpu.memory_space<vmem>>, vector<1x5x128xf32>,
    return
  }
  func.func @transform_0(%arg0: i32) -> (i32, i32, i32) {
    %c0_i32 = arith.constant 0 : i32
    %c0_i32_0 = arith.constant 0 : i32
    %c0_i32_1 = arith.constant 0 : i32
    return %arg0, %c0_i32, %c0_i32_0 : i32, i32, i32
  }
  func.func @transform_1(%arg0: i32) -> (i32, i32) {
    %c0_i32 = arith.constant 0 : i32
    %c0_i32_0 = arith.constant 0 : i32
    %c0_i32_1 = arith.constant 0 : i32
    return %c0_i32, %c0_i32_0 : i32, i32
  }
  func.func @transform_2(%arg0: i32) -> (i32, i32) {
    %c0_i32 = arith.constant 0 : i32
    %c0_i32_0 = arith.constant 0 : i32
    %c0_i32_1 = arith.constant 0 : i32
    return %c0_i32, %c0_i32_0 : i32, i32
  }
  func.func @transform_3(%arg0: i32) -> (i32, i32) {
    %c0_i32 = arith.constant 0 : i32
    %c0_i32_0 = arith.constant 0 : i32
    %c0_i32_1 = arith.constant 0 : i32
    return %c0_i32, %c0_i32_0 : i32, i32
  }
  func.func @transform_4(%arg0: i32) -> (i32, i32) {
    %c0_i32 = arith.constant 0 : i32
    %c0_i32_0 = arith.constant 0 : i32
    %c0_i32_1 = arith.constant 0 : i32
    return %c0_i32, %c0_i32_0 : i32, i32
  }
  func.func @transform_5(%arg0: i32) -> (i32, i32) {
    %c0_i32 = arith.constant 0 : i32
    %c0_i32_0 = arith.constant 0 : i32
    %c0_i32_1 = arith.constant 0 : i32
    return %c0_i32, %c0_i32_0 : i32, i32
  }
  func.func @transform_6(%arg0: i32) -> (i32, i32) {
    %c0_i32 = arith.constant 0 : i32
    %c0_i32_0 = arith.constant 0 : i32
    %c0_i32_1 = arith.constant 0 : i32
    return %c0_i32, %c0_i32_0 : i32, i32
  }
  func.func @transform_7(%arg0: i32) -> (i32, i32, i32) {
    %c0_i32 = arith.constant 0 : i32
    %c0_i32_0 = arith.constant 0 : i32
    %c0_i32_1 = arith.constant 0 : i32
    return %arg0, %c0_i32, %c0_i32_0 : i32, i32, i32
  }
}

module attributes {stable_mosaic.version = 14 : i64} {
  func.func @_tc2_body(%arg0: memref<2x512x128xf32, #tpu.memory_space<vmem>>, %arg1: memref<512x128xf32, #tpu.memory_space<vmem>>, %arg2: memref<256x128xf32, #tpu.memory_space<vmem>>, %arg3: memref<1x128xf32, #tpu.memory_space<vmem>>, %arg4: memref<512x128xf32, #tpu.memory_space<vmem>>) attributes {dimension_semantics = [], scalar_prefetch = 0 : i64, scratch_operands = 0 : i64, tpu.core_type = #tpu.core_type<tc>} {
    %get3A = arith.constant 0 : index
    %get3A_0 = arith.constant 0 : index
    %get3A_1 = arith.constant 0 : index
    %get3A_2 = vector.load %arg0[%get3A, %get3A_0, %get3A_1] : memref<2x512x128xf32, #tpu.memory_space<vmem>>, vector<1x512x128xf32>
    %get3A_3 = vector.shape_cast %get3A_2 : vector<1x512x128xf32> to vector<512x128xf32>
    %get3A_4 = arith.constant 1 : index
    %get3A_5 = arith.constant 0 : index
    %get3A_6 = arith.constant 0 : index
    %get3A_7 = vector.load %arg0[%get3A_4, %get3A_5, %get3A_6] : memref<2x512x128xf32, #tpu.memory_space<vmem>>, vector<1x512x128xf32>
    %get3A_8 = vector.shape_cast %get3A_7 : vector<1x512x128xf32> to vector<512x128xf32>
    %add3A = arith.addf %get3A_3, %get3A_8 : vector<512x128xf32>
    %get3A_9 = arith.constant 0 : index
    %get3A_10 = arith.constant 0 : index
    %get3A_11 = vector.load %arg2[%get3A_9, %get3A_10] : memref<256x128xf32, #tpu.memory_space<vmem>>, vector<128x128xf32>
    %dot_general3A = arith.constant dense<0.000000e+00> : vector<512x128xf32>
    %dot_general3A_12 = tpu.matmul %add3A, %get3A_11, %dot_general3A {dimension_numbers = #tpu.dot_dimension_numbers<[1], [0], [0], [1], [0, 0, 1, 1], [], []>, transpose_lhs_hint = false} : vector<512x128xf32>, vector<128x128xf32>, vector<512x128xf32> -> vector<512x128xf32>
    %get3A_13 = arith.constant 0 : index
    %get3A_14 = arith.constant 0 : index
    %get3A_15 = vector.load %arg1[%get3A_13, %get3A_14] : memref<512x128xf32, #tpu.memory_space<vmem>>, vector<512x128xf32>
    %get3A_16 = arith.constant 128 : index
    %get3A_17 = arith.constant 0 : index
    %get3A_18 = vector.load %arg2[%get3A_16, %get3A_17] : memref<256x128xf32, #tpu.memory_space<vmem>>, vector<128x128xf32>
    %dot_general3A_19 = arith.constant dense<0.000000e+00> : vector<512x128xf32>
    %dot_general3A_20 = tpu.matmul %get3A_15, %get3A_18, %dot_general3A_19 {dimension_numbers = #tpu.dot_dimension_numbers<[1], [0], [0], [1], [0, 0, 1, 1], [], []>, transpose_lhs_hint = false} : vector<512x128xf32>, vector<128x128xf32>, vector<512x128xf32> -> vector<512x128xf32>
    %add3A_21 = arith.addf %dot_general3A_12, %dot_general3A_20 : vector<512x128xf32>
    %get3A_22 = arith.constant 0 : index
    %get3A_23 = arith.constant 0 : index
    %get3A_24 = vector.load %arg3[%get3A_22, %get3A_23] : memref<1x128xf32, #tpu.memory_space<vmem>>, vector<1x128xf32>
    %add3A_25 = vector.broadcast %get3A_24 : vector<1x128xf32> to vector<512x128xf32>
    %add3A_26 = arith.addf %add3A_21, %add3A_25 : vector<512x128xf32>
    %swap3A = arith.constant 0 : index
    %swap3A_27 = arith.constant 0 : index
    %swap3A_28 = vector.load %arg4[%swap3A, %swap3A_27] : memref<512x128xf32, #tpu.memory_space<vmem>>, vector<512x128xf32>
    tpu.vector_store %arg4[%swap3A, %swap3A_27], %add3A_26 {strides = array<i32>} : memref<512x128xf32, #tpu.memory_space<vmem>>, vector<512x128xf32>,
    return
  }
}

</mosaic_0001>

<sc_bundles>
// kernel: kernel.5.cloned.1.call-start
scs
__scs_entry_jumppad:
0x0: {  	(pc) =	sbr.rel $0x88, $3  }
0x1: {  	(tag) =	ssettag $0x0;
	lr =	simm.s32 $0x1  }
0x2: {  	[smem:$0x3F98] =	sst lr;
	_ =	strace $0xD0000000  }
0x3: {  	_ = 	snop  }
0x4: {  	_ = 	snop  }
0x5: {  	_ = 	snop  }
0x6: {  	_ = 	snop  }
0x7: {  	_ = 	snop  }
__scs_overlays_trampoline_lowered:
0x8: {  	[smem:$0x3FA7] =	sst s0  }
0x9: {  	[smem:$0x3FA8] =	sst s1  }
0xa: {  	[smem:$0x3FA9] =	sst s2  }
0xb: {  	[smem:$0x3FAA] =	sst s3  }
0xc: {  	[smem:$0x3FAB] =	sst s4  }
0xd: {  	[smem:$0x3FAC] =	sst s5  }
0xe: {  	[smem:$0x3FAD] =	sst s6  }
0xf: {  	[smem:$0x3FAE] =	sst s7  }
0x10: {  	[smem:$0x3FAF] =	sst s8  }
0x11: {  	[smem:$0x3FB0] =	sst s9;
	s0 =	simm.s32 @!p0 $0x0  }
0x12: {  	s1 =	sld [smem:$0x3F96];
	s0 =	simm.s32 @p0 $0x1  }
0x13: {  	[smem:$0x3FB1] =	sst s0;
	s0 =	simm.s32 @!p1 $0x0  }
0x14: {  	s2 =	sld [smem:$0x3F95];
	s0 =	simm.s32 @p1 $0x1  }
0x15: {  	[smem:$0x3FB2] =	sst s0;
	s0 =	simm.s32 @!p2 $0x0  }
0x16: {  	s3 =	sld [smem:$0x3FDB];
	s0 =	simm.s32 @p2 $0x1  }
0x17: {  	s4 =	simm.s32 $0x1BF5;
	[smem:$0x3FB4] =	sst s0  }
0x18: {  	s0 =	sld [smem:$0x3F97];
	_ =	swait.ge [sflag:s4], $0x0  }
0x19: {  	s7 =	sld [smem:$0x3F98]  }
0x1a: {  	s8 =	sadd.s32 $0xFFFFE003, lr  }
0x1b: {  	s9 =	sadd.s32 $0xFFFFFEF7, lr;
	s5 =	simm.s32 $0xFFFFFFFF;
	p2 =	slt.u32 s8, $0xFFFFF086  }
0x1c: {  	p1 =	slt.u32 s9, $0xF7A;
	s5 =	simm.s32 @!p2 $0x0  }
0x1d: {  	s5 =	simm.s32 @p1 $0x1;
	p0 =	seq.s32 s7, s2  }
0x1e: {  	s7 =	smul.u32 @!p0 $0xF7A, s2;
	p2 =	seq.s32 @!p0 s5, $0x0  }
0x1f: {  	s9 =	smul.u32 $0xF7A, s1;
	s8 =	simm.s32 @!p0 $0x1BF5;
	p2 =	por !p2, p0  }
0x20: {  	[sflag:s8] =	ssyncset.s32 @!p0 $0xFFFFF086;
	s6 =	sadd.s32 @!p0 s3, s7;
	s7 =	simm.s32 @!p0 $0x108  }
0x21: {  	s3 =	sadd.s32 s3, s9;
	s6 =	sadd.s32 @!p0 $0x88, s6;
	s7 =	simm.s32 @p2 $0x1082  }
0x22: {  	[simem:s7], [sflag:s8] =	dma.local @!p0 [hbm:s6], $0xF7A  }
0x23: {  	s9 =	sor.u32 $0xD0000000, s2;
	s6 =	simm.s32 $0x108;
	_ =	swait.ge @!p0 [sflag:s8], $0x0  }
0x24: {  	s3 =	sadd.s32 $0x88, s3;
	s6 =	simm.s32 @!p1 $0x1082;
	[sflag:s4] =	ssyncset.s32 $0xFFFFF086  }
0x25: {  	[simem:s6], [sflag:s4] =	dma.local [hbm:s3], $0xF7A  }
0x26: {  	[smem:$0x3F98] =	sst s1;
	(tag) =	ssettag s2;
	_ =	strace s9  }
0x27: {  	s1 =	sld [smem:$0x3FA8]  }
0x28: {  	s2 =	sld [smem:$0x3FA9]  }
0x29: {  	s4 =	sld [smem:$0x3FAB]  }
0x2a: {  	p0 =	seq.s32 s5, $0x0;
	s5 =	sld [smem:$0x3FAC]  }
0x2b: {  	s6 =	sld [smem:$0x3FAD]  }
0x2c: {  	s7 =	sld [smem:$0x3FAE]  }
0x2d: {  	s3 =	simm.s32 $0x108;
	s8 =	sld [smem:$0x3FAF]  }
0x2e: {  	s3 =	simm.s32 @!p0 $0x1082;
	s9 =	sld [smem:$0x3FB0]  }
0x2f: {  	lr =	sadd.s32 s0, s3;
	s0 =	sld [smem:$0x3FA7]  }
0x30: {  	s3 =	sld [smem:$0x3FAA]  }
0x31: {  	[smem:$0x3FB3] =	sst s10  }
0x32: {  	s10 =	sld [smem:$0x3FB1];
	_ =	sdelay $0x3  }
0x33: {  	p0 =	seq.s32 s10, $0x1;
	s10 =	sld [smem:$0x3FB3];
	_ =	sdelay $0x3  }
0x34: {  	[smem:$0x3FB3] =	sst s10  }
0x35: {  	s10 =	sld [smem:$0x3FB2];
	_ =	sdelay $0x3  }
0x36: {  	p1 =	seq.s32 s10, $0x1;
	s10 =	sld [smem:$0x3FB3];
	_ =	sdelay $0x3  }
0x37: {  	[smem:$0x3FB3] =	sst s10  }
0x38: {  	s10 =	sld [smem:$0x3FB4]  }
0x39: {  	_ = 	snop;
	(pc) =	sbr.ind lr, $3  }
0x3a: {  	_ = 	snop  }
0x3b: {  	_ = 	snop  }
0x3c: {  	p2 =	seq.s32 s10, $0x1;
	s10 =	sld [smem:$0x3FB3]  }
0x3d: {  	_ =	shalt  }
0x3e: {  	_ =	shalt  }
0x3f: {  	_ =	shalt  }
0x40: {  	_ =	shalt  }
0x41: {  	_ =	shalt  }
0x42: {  	_ =	shalt  }
0x43: {  	_ =	shalt  }
0x44: {  	_ =	shalt  }
0x45: {  	_ =	shalt  }
0x46: {  	_ =	shalt  }
0x47: {  	_ =	shalt  }
0x48: {  	_ =	shalt  }
0x49: {  	_ =	shalt  }
0x4a: {  	_ =	shalt  }
0x4b: {  	_ =	shalt  }
0x4c: {  	_ =	shalt  }
0x4d: {  	_ =	shalt  }
0x4e: {  	_ =	shalt  }
0x4f: {  	_ =	shalt  }
0x50: {  	_ =	shalt  }
0x51: {  	_ =	shalt  }
0x52: {  	_ =	shalt  }
0x53: {  	_ =	shalt  }
0x54: {  	_ =	shalt  }
0x55: {  	_ =	shalt  }
0x56: {  	_ =	shalt  }
0x57: {  	_ =	shalt  }
0x58: {  	_ =	shalt  }
0x59: {  	_ =	shalt  }
0x5a: {  	_ =	shalt  }
0x5b: {  	_ =	shalt  }
0x5c: {  	_ =	shalt  }
0x5d: {  	_ =	shalt  }
0x5e: {  	_ =	shalt  }
0x5f: {  	_ =	shalt  }
0x60: {  	_ =	shalt  }
0x61: {  	_ =	shalt  }
0x62: {  	_ =	shalt  }
0x63: {  	_ =	shalt  }
0x64: {  	_ =	shalt  }
0x65: {  	_ =	shalt  }
0x66: {  	_ =	shalt  }
0x67: {  	_ =	shalt  }
0x68: {  	_ =	shalt  }
0x69: {  	_ =	shalt  }
0x6a: {  	_ =	shalt  }
0x6b: {  	_ =	shalt  }
0x6c: {  	_ =	shalt  }
0x6d: {  	_ =	shalt  }
0x6e: {  	_ =	shalt  }
0x6f: {  	_ =	shalt  }
0x70: {  	_ =	shalt  }
0x71: {  	_ =	shalt  }
0x72: {  	_ =	shalt  }
0x73: {  	_ =	shalt  }
0x74: {  	_ =	shalt  }
0x75: {  	_ =	shalt  }
0x76: {  	_ =	shalt  }
0x77: {  	_ =	shalt  }
0x78: {  	_ =	shalt  }
0x79: {  	_ =	shalt  }
0x7a: {  	_ =	shalt  }
0x7b: {  	_ =	shalt  }
0x7c: {  	_ =	shalt  }
0x7d: {  	_ =	shalt  }
0x7e: {  	_ =	shalt  }
0x7f: {  	_ =	shalt  }
0x80: {  	_ =	shalt  }
0x81: {  	_ =	shalt  }
0x82: {  	_ =	shalt  }
0x83: {  	_ =	shalt  }
0x84: {  	_ =	shalt  }
0x85: {  	_ =	shalt  }
0x86: {  	_ =	shalt  }
0x87: {  	_ =	shalt  }
.Lfunc_end0:
.L_simem_size_0:
called_computation_lowered:
.L_overlay_start_0:
0x88: {  	s2 =	sld [smem:$0x3FD9]  }
0x89: {  	s3 =	sld [smem:$0x3FFE];
	_ =	sdelay $0x1  }
0x8a: {  	s1 =	srdreg.scid  }
0x8b: {  	s0 =	sand.u32 $0x1, s1  }
0x8c: {  	s16 =	sshll.u32 s0, $0xA;
	s2 =	sadd.s32 s3, s2  }
0x8d: {  	s2 =	sadd.s32 s2, s16  }
0x8e: {  	[smem:$0x3FBF] =	sst s2  }
0x8f: {  	_ = 	snop  }
0x90: {  	(tm) =	ssettm $0x1  }
0x91: {  	s17 =	sld [smem:$0x3FFB];
	_ =	sdelay $0x3  }
0x92: {  	_ =	strace s17  }
0x93: {  	s2 =	sld [smem:$0x3FFC];
	_ =	sdelay $0x3  }
0x94: {  	_ =	strace s2  }
0x95: {  	s2 =	sld [smem:$0x3FFD];
	_ =	sdelay $0x3  }
0x96: {  	_ =	strace s2  }
0x97: {  	_ =	strace $0x8FFFFFFF  }
0x98: {  	s18 =	sld [smem:$0x3FDB];
	_ =	sdelay $0x1  }
0x99: {  	s19 =	simm.s32 $_scs_section_size  }
0x9a: {  	s4 =	simm.s32 $_size__tile_overlayer_lowered;
	s5 =	simm.s32 $_tile_overlayer_lowered  }
0x9b: {  	s22 =	simm.s32 $0x1BFF;
	s21 =	sshll.u32 s5, $0x1;
	s2 =	sadd.s32 s19, s18  }
0x9c: {  	s6 =	simm.s32 $0x0;
	s20 =	sshll.u32 s4, $0x1;
	s4 =	sadd.s32 s21, s2  }
0x9d: {  	[timem:s6], [sflag:s22] =	dma.local [hbm:s4], s20  }
0x9e: {  	_ =	swait.ge [sflag:s22], s20  }
0x9f: {  	s3 =	ssub.s32 $0x0, s20;
	[sflag:s22] =	ssyncset.done $0x0  }
0xa0: {  	[sflag:s22] =	ssyncadd.s32 s3;
	_ =	sdelay $0x1  }
0xa1: {  	s23 =	simm.s32 $0x1B8B  }
0xa2: {  	_ =	swait.ge [sflag:s23], $0x1  }
0xa3: {  	[sflag:s23] =	ssyncset.done $0x0  }
0xa4: {  	s25 =	simm.s32 $0x1B8E;
	s24 =	sld [smem:$0x3FFE];
	[sflag:s23] =	ssyncadd.s32 $0xFFFFFFFF  }
0xa5: {  	s26 =	simm.s32 $execute0_lowered;
	[smem:$0x3FD2] =	sst s25  }
0xa6: {  	s4 =	sshll.u32 s26, $0x1;
	_ =	strace $0x80000046;
	[dreg:$0x1] =	wrdreg $0xFFFFFFFF  }
0xa7: {  	s28 =	simm.s32 $_size_execute0_lowered;
	s2 =	sadd.s32 s2, s4;
	[dreg:$0x0] =	wrdreg $0x0  }
0xa8: {  	s4 =	sshll.u32 s28, $0x1;
	[dreg:$0x2] =	wrdreg s2  }
0xa9: {  	[dreg:$0x3] =	wrdreg s4  }
0xaa: {  	[dreg:$0x4] =	wrdreg $0xC0  }
0xab: {  	_ =	task [dreg:s6], $0x5FFFF  }
0xac: {  	[dreg:$0x1] =	wrdreg $0xFFFFFFFF  }
0xad: {  	[dreg:$0x0] =	wrdreg $0x60  }
0xae: {  	[dreg:$0x2] =	wrdreg s24  }
0xaf: {  	[dreg:$0x3] =	wrdreg $0x0  }
0xb0: {  	[dreg:$0x4] =	wrdreg $0x9  }
0xb1: {  	_ =	task.clear_ibuf [dreg:s6], $0x5FFFF;
	_ =	strace $0x90000046  }
0xb2: {  	s29 =	simm.s32 $0x9;
	_ =	strace $0x80000048  }
0xb3: {  	_ =	swait.ge [sflag:s29], $0x1  }
0xb4: {  	[sflag:s29] =	ssyncadd.s32 $0xFFFFFFFF  }
0xb5: {  	_ =	strace $0x90000048  }
0xb6: {  	_ =	sfence  }
0xb7: {  	s30 =	sld [smem:$0x0];
	_ =	sdelay $0x2  }
0xb8: {  	s31 =	sshll.u32 s1, $0xD;
	s1 =	sshrl.u32 s1, $0x2  }
0xb9: {  	s3 =	sand.u32 $0x4000, s31;
	s1 =	sadd.s32 s1, s30  }
0xba: {  	s0 =	sor.u32 s3, s0;
	s1 =	sshll.u32 s1, $0x11  }
0xbb: {  	s0 =	sor.u32 s1, s0  }
0xbc: {  	s0 =	sadd.s32 $0x8F2B, s0  }
0xbd: {  	[sflag:s0] =	ssyncadd.remote.s32 $0x1  }
0xbe: {  	_ =	sfence.sel $0xFFFF  }
0xbf: {  	[dreg:$0x0] =	wrdreg $0xFFFFFFFF;
	(pc) =	sbr.abs _section_cstart, $3  }
0xc0: {  	[dreg:$0x1] =	wrdreg $0xFFFFFFFF  }
0xc1: {  	_ =	task.clear_ibuf [dreg:s6], $0x2FFFF;
	_ =	strace $0x9FFFFFFF  }
0xc2: {  	(tm) =	ssettm $0x7FFFFFFF  }
0xc3: {  	_ =	shalt  }
tec
execute0_lowered:
.L_overlay_start_1:
0x0: {  	(tag) =	ssettag $0x1  }
0x1: {  	s5 =	rddreg [dreg:$0x0]  }
0x2: {  	s2 =	rddreg [dreg:$0x1]  }
0x3: {  	s0 =	rddreg [dreg:$0x2];
	s1 =	simm.s32 $0x0;
	s3 =	stileid.u32  }
0x4: {  	s4 =	srdreg.scid;
	[smem:$0x7FF] =	sst s1  }
0x5: {  	s1 =	sadd.s32 $0x3200, s5;
	p0 =	sne.s32 s3, $0x0;
	s6 =	sand.u32 $0x1, s4  }
0x6: {  	_ =	strace $0x80000047;
	s3 =	sshrl.u32 @!p0 s2, $0x3;
	s7 =	ssub.s32 $0x2, s6  }
0x7: {  	s4 =	simm.s32 @!p0 $0x1C01;
	[bflag:$0x0] =	sbarrier.arrive @p0 $0xFFFF;
	s8 =	sshrl.u32 s7, $0x1  }
0x8: {  	s2 =	simm.s32 @!p0 $0x1;
	[bflag:$0x0] =	sbarrier.arrive @p0 $0xFFFF;
	s7 =	ssub.s32 s7, s8  }
0x9: {  	[spmem:s3], [sflag:s4] =	dma.local @!p0 [hbm:s1], $0x2000  }
0xa: {  	s6 =	sshll.u32 s6, $0xD;
	s31 =	smax.u32 s7, $0x1;
	_ =	swait.ge @!p0 [sflag:s2], $0x2000  }
0xb: {  	s5 =	sadd.s32 s6, s5;
	s6 =	sadd.s32 $0xFFFFFFFF, s31;
	[sflag:s2] =	ssyncset.done @!p0 $0x0  }
0xc: {  	p1 =	sne.s32 s6, $0x0;
	[sflag:s2] =	ssyncadd.s32 @!p0 $0xFFFFE000  }
.Ltmp0:
0xd: {  	[bflag:$0x0] =	sbarrier.arrive @!p0 $0xFFFF;
	(pc) =	sbr.rel @!p1 .LBB2_2-.Ltmp0, $4  }
0xe: {  	s5 =	sadd.s32 $0x5200, s5;
	[bflag:$0x0] =	sbarrier.arrive @!p0 $0xFFFF  }
0xf: {  	[hbm:s5], [sflag:s4] =	dma.local @!p0 [spmem:s3], $0x2000  }
0x10: {  	_ =	swait.ge @!p0 [sflag:s2], $0x2000  }
0x11: {  	[sflag:s2] =	ssyncset.done @!p0 $0x0  }
.LBB2_1:
0x12: {  	s6 =	sadd.s32 $0xFFFFFFFF, s6;
	[sflag:s2] =	ssyncadd.s32 @!p0 $0xFFFFE000  }
0x13: {  	[bflag:$0x0] =	sbarrier.arrive @p0 $0xFFFF;
	p1 =	sne.s32 s6, $0x0  }
0x14: {  	[bflag:$0x0] =	sbarrier.arrive @p0 $0xFFFF  }
0x15: {  	[spmem:s3], [sflag:s4] =	dma.local @!p0 [hbm:s1], $0x2000  }
0x16: {  	_ =	swait.ge @!p0 [sflag:s2], $0x2000  }
0x17: {  	[sflag:s2] =	ssyncset.done @!p0 $0x0  }
0x18: {  	[sflag:s2] =	ssyncadd.s32 @!p0 $0xFFFFE000  }
.Ltmp1:
0x19: {  	[bflag:$0x0] =	sbarrier.arrive @!p0 $0xFFFF;
	(pc) =	sbr.rel @p1 .LBB2_1-.Ltmp1, $4  }
0x1a: {  	[bflag:$0x0] =	sbarrier.arrive @!p0 $0xFFFF  }
0x1b: {  	[hbm:s5], [sflag:s4] =	dma.local @!p0 [spmem:s3], $0x2000  }
0x1c: {  	_ =	swait.ge @!p0 [sflag:s2], $0x2000  }
0x1d: {  	[sflag:s2] =	ssyncset.done @!p0 $0x0  }
.LBB2_2:
0x1e: {  	[sflag:s2] =	ssyncadd.s32 @!p0 $0xFFFFE000  }
0x1f: {  	_ =	sfence.sel $0x180000  }
0x20: {  	[bflag:$0x0] =	sbarrier.arrive $0xFFFF  }
0x21: {  	_ =	strace $0x90000047  }
0x22: {  	s0 =	sadd.s32 @!p0 $0x100000, s0;
	[bflag:$0x2] =	sbarrier.arrive $0xFFFF  }
0x23: {  	[sflag:s0] =	ssyncadd.tile.s32 @!p0 $0x1;
	_ =	shalt  }
.Lfunc_end2:
_tile_overlayer_lowered:
.L_overlay_start_2:
0x24: {  	(tag) =	ssettag $0x2  }
0x25: {  	s0 =	rddreg [dreg:$0x0];
	s2 =	stileid.u32  }
0x26: {  	s1 =	rddreg [dreg:$0x1];
	p0 =	sne.s32 s2, $0x0  }
0x27: {  	s3 =	rddreg [dreg:$0x2];
	[bflag:$0x3] =	sbarrier.arrive $0xFFFF;
	s2 =	simm.s32 @!p0 $0x1C01  }
0x28: {  	[timem:s3], [sflag:s2] =	dma.local @!p0 [hbm:s0], s1  }
0x29: {  	s0 =	simm.s32 @!p0 $0x1  }
0x2a: {  	_ =	swait.ge @!p0 [sflag:s0], s1  }
0x2b: {  	s1 =	ssub.s32 @!p0 $0x0, s1;
	[sflag:s0] =	ssyncset.done @!p0 $0x0  }
0x2c: {  	[sflag:s0] =	ssyncadd.s32 @!p0 s1  }
0x2d: {  	[bflag:$0x3] =	sbarrier.arrive $0xFFFF  }
0x2e: {  	_ =	shalt  }

</sc_bundles>
